<compile_context>
chip_gen: v7x
topology: tpu7x:2x2x1
jax: 0.10.2.dev20260603
libtpu: 0.0.44.dev20260713+nightly
codegen_flags: <defaults>
</compile_context>

<pallas_src>
import functools

import jax
import jax.numpy as jnp
from jax import lax
from jax.experimental import pallas as pl
from jax.experimental.pallas import tpu as pltpu
from jax.experimental.pallas import tpu_sc as plsc

NUM_CORES = 2
NUM_SUBCORES = 16
NUM_WORKERS = NUM_CORES * NUM_SUBCORES

CHUNK = 128


def _gather(idx, weight, total, D, n_chunks):
    per_worker = total // NUM_WORKERS
    n_pairs = n_chunks // 2
    mesh = plsc.VectorSubcoreMesh(core_axis_name="c", subcore_axis_name="s")

    @functools.partial(
        pl.kernel,
        mesh=mesh,
        out_type=jax.ShapeDtypeStruct((total, D), jnp.float32),
        scratch_types=[
            pltpu.VMEM((n_chunks, CHUNK), jnp.int32),
            pltpu.VMEM((CHUNK, D), jnp.float32),
            pltpu.VMEM((CHUNK, D), jnp.float32),
            pltpu.SemaphoreType.DMA,
            pltpu.SemaphoreType.DMA,
        ],
        compiler_params=pltpu.CompilerParams(use_tc_tiling_on_sc=False),
    )
    def gather_kernel(idx_hbm, table_hbm, out_hbm, idx_v, rows_a, rows_b, sem_a, sem_b):
        wid = lax.axis_index("s") * NUM_CORES + lax.axis_index("c")
        base = wid * per_worker
        pltpu.sync_copy(idx_hbm.at[wid], idx_v)

        pltpu.async_copy(table_hbm.at[idx_v.at[0]], rows_a, sem_a)

        def body(i, carry):
            g = 2 * i
            pltpu.async_copy(table_hbm.at[idx_v.at[g + 1]], rows_b, sem_b)
            pltpu.make_async_copy(table_hbm.at[idx_v.at[g]], rows_a, sem_a).wait()
            pltpu.sync_copy(rows_a, out_hbm.at[pl.ds(base + g * CHUNK, CHUNK)])

            @pl.when(i < n_pairs - 1)
            def _():
                pltpu.async_copy(table_hbm.at[idx_v.at[g + 2]], rows_a, sem_a)

            pltpu.make_async_copy(table_hbm.at[idx_v.at[g + 1]], rows_b, sem_b).wait()
            pltpu.sync_copy(rows_b, out_hbm.at[pl.ds(base + (g + 1) * CHUNK, CHUNK)])
            return carry

        lax.fori_loop(0, n_pairs, body, 0)

    return gather_kernel(idx, weight)


def _transpose_tc(pairs, B, S, D):
    P = S // 2
    nblk = B // 128

    def body(in_ref, out_ref):
        x = in_ref[0]
        out_ref[0] = x[:, :D].T
        out_ref[1] = x[:, D:].T

    return pl.pallas_call(
        body,
        grid=(P, nblk),
        in_specs=[pl.BlockSpec((1, 128, 128), lambda p, b: (p, b, 0))],
        out_specs=pl.BlockSpec((2, D, 128), lambda p, b: (p, 0, b)),
        out_shape=jax.ShapeDtypeStruct((S, D, B), jnp.float32),
    )(pairs)


def kernel(token_ids, weight):
    B, S = token_ids.shape
    V, D = weight.shape
    P = S // 2
    total = B * S
    n_chunks = (total // NUM_WORKERS) // CHUNK

    idx3 = token_ids.reshape(B, P, 2).transpose(1, 0, 2).astype(jnp.int32)
    idx = idx3.reshape(NUM_WORKERS, n_chunks, CHUNK)

    rows = _gather(idx, weight, total, D, n_chunks)
    pairs = rows.reshape(P, B, 2 * D)
    outc = _transpose_tc(pairs, B, S, D)
    return jnp.transpose(outc, (2, 0, 1))

# --- scband reference (transcript-rebuilt; emitter-appended) ---
"""Pipeline reference for scband-embedding-919123001679 (READ-ONLY COPY).

The authoritative reference and input builder live on the scoring server;
editing this copy changes nothing except your own understanding.
"""

import jax, jax.numpy as jnp
import numpy as np

NUM_EMBEDDINGS = 1000000
EMBEDDING_DIM = 64

def setup_inputs(seed: int = 0) -> dict:
    key = jax.random.key(seed)
    k1, k2 = jax.random.split(key)
    token_ids = jax.random.randint(k1, (16384, 50), 0, NUM_EMBEDDINGS, dtype=jnp.int64 if jax.config.jax_enable_x64 else jnp.int32)
    # trunc_normal_(mean=0, std=1, a=-3, b=3)
    weight = jax.random.truncated_normal(k2, -3.0, 3.0, (NUM_EMBEDDINGS, EMBEDDING_DIM), dtype=jnp.float32)
    return {"token_ids": token_ids, "weight": weight}

def reference(token_ids, weight):
    # Faithful translation of: return self.weight[token_ids]
    return jnp.take(weight, token_ids, axis=0)

if __name__ == "__main__":
    import jax
    _d = setup_inputs()
    print(jax.jit(kernel)(*tuple(_d.values())))

</pallas_src>

<mosaic_0001>
#map = affine_map<(d0, d1) -> (0, 0, 0)>
#map1 = affine_map<(d0, d1) -> (0, 0)>
module attributes {stable_mosaic.version = 14 : i64} {
  func.func @gather_kernel(%arg0: i32, %arg1: i32, %arg2: memref<32x200x128xi32, #tpu.memory_space<hbm>>, %arg3: memref<1000000x64xf32, #tpu.memory_space<hbm>>, %arg4: memref<819200x64xf32, #tpu.memory_space<hbm>>, %arg5: memref<200x128xi32, #tpu.memory_space<vmem>>, %arg6: memref<128x64xf32, #tpu.memory_space<vmem>>, %arg7: memref<128x64xf32, #tpu.memory_space<vmem>>, %arg8: memref<!tpu.dma_semaphore, #tpu.memory_space<semaphore_mem>>, %arg9: memref<!tpu.dma_semaphore, #tpu.memory_space<semaphore_mem>>) attributes {dimension_semantics = [#tpu.dimension_semantics<core_parallel>, #tpu.dimension_semantics<subcore_parallel>], iteration_bounds = array<i64: 2, 16>, scalar_prefetch = 0 : i64, scratch_operands = 5 : i64, tpu.core_type = #tpu.core_type<sc_vector_subcore>, window_params = [{transform_indices = #map}, {transform_indices = #map1}, {transform_indices = #map1}]} {
    %mul3A = arith.constant 2 : i32
    %mul3A_0 = arith.muli %arg1, %mul3A : i32
    %add3A = arith.addi %mul3A_0, %arg0 : i32
    %mul3A_1 = arith.constant 25600 : i32
    %mul3A_2 = arith.muli %add3A, %mul3A_1 : i32
    "tpu.region"() ({
      %run_scoped3A = tpu.sem_alloc : memref<!tpu.dma_semaphore, #tpu.memory_space<semaphore_mem>>
      %dma_start3A_14 = arith.constant 0 : i32
      %dma_start3A_15 = arith.constant 0 : i32
      %dma_start3A_16 = tpu.memref_slice %arg2[%add3A, %dma_start3A_14, %dma_start3A_15] : memref<32x200x128xi32, #tpu.memory_space<hbm>> -> memref<1x200x128xi32, #tpu.memory_space<hbm>>
      %dma_start3A_17 = tpu.memref_squeeze %dma_start3A_16 : memref<1x200x128xi32, #tpu.memory_space<hbm>> -> memref<200x128xi32, #tpu.memory_space<hbm>>
      %dma_start3A_18 = arith.constant 0 : i32
      %dma_start3A_19 = arith.constant 0 : i32
      %dma_start3A_20 = tpu.memref_slice %arg2[%add3A, %dma_start3A_18, %dma_start3A_19] : memref<32x200x128xi32, #tpu.memory_space<hbm>> -> memref<1x200x128xi32, #tpu.memory_space<hbm>>
      %dma_start3A_21 = tpu.memref_squeeze %dma_start3A_20 : memref<1x200x128xi32, #tpu.memory_space<hbm>> -> memref<200x128xi32, #tpu.memory_space<hbm>>
      tpu.enqueue_dma source(%dma_start3A_21 : memref<200x128xi32, #tpu.memory_space<hbm>>) target(%arg5 : memref<200x128xi32, #tpu.memory_space<vmem>>) target_semaphore(%run_scoped3A : memref<!tpu.dma_semaphore, #tpu.memory_space<semaphore_mem>>)
      %dma_wait3A = arith.constant 0 : i32
      %dma_wait3A_22 = arith.constant 0 : i32
      %dma_wait3A_23 = tpu.memref_slice %arg2[%add3A, %dma_wait3A, %dma_wait3A_22] : memref<32x200x128xi32, #tpu.memory_space<hbm>> -> memref<1x200x128xi32, #tpu.memory_space<hbm>>
      %dma_wait3A_24 = tpu.memref_squeeze %dma_wait3A_23 : memref<1x200x128xi32, #tpu.memory_space<hbm>> -> memref<200x128xi32, #tpu.memory_space<hbm>>
      %dma_wait3A_25 = arith.constant 0 : i32
      %dma_wait3A_26 = arith.constant 0 : i32
      %dma_wait3A_27 = tpu.memref_slice %arg2[%add3A, %dma_wait3A_25, %dma_wait3A_26] : memref<32x200x128xi32, #tpu.memory_space<hbm>> -> memref<1x200x128xi32, #tpu.memory_space<hbm>>
      %dma_wait3A_28 = tpu.memref_squeeze %dma_wait3A_27 : memref<1x200x128xi32, #tpu.memory_space<hbm>> -> memref<200x128xi32, #tpu.memory_space<hbm>>
      tpu.wait_dma2 semaphore(%run_scoped3A : memref<!tpu.dma_semaphore, #tpu.memory_space<semaphore_mem>>) src(%dma_wait3A_28 : memref<200x128xi32, #tpu.memory_space<hbm>>) dst(%arg5 : memref<200x128xi32, #tpu.memory_space<vmem>>)
      tpu.yield
    }) : () -> ()
    %dma_start3A = arith.constant 0 : i32
    %dma_start3A_3 = arith.constant 0 : i32
    %dma_start3A_4 = tpu.memref_slice %arg5[%dma_start3A, %dma_start3A_3] : memref<200x128xi32, #tpu.memory_space<vmem>> -> memref<1x128xi32, #tpu.memory_space<vmem>>
    %dma_start3A_5 = tpu.memref_squeeze %dma_start3A_4 : memref<1x128xi32, #tpu.memory_space<vmem>> -> memref<128xi32, #tpu.memory_space<vmem>>
    %dma_start3A_6 = arith.constant 0 : i32
    %dma_start3A_7 = arith.constant 0 : i32
    %dma_start3A_8 = tpu.memref_slice %arg3[%dma_start3A_6, %dma_start3A_7] : memref<1000000x64xf32, #tpu.memory_space<hbm>> -> memref<1000000x64xf32, #tpu.memory_space<hbm>>
    tpu.enqueue_indirect_dma source(%dma_start3A_8 : memref<1000000x64xf32, #tpu.memory_space<hbm>>) target(%arg6 : memref<128x64xf32, #tpu.memory_space<vmem>>) offsets(%dma_start3A_5 : memref<128xi32, #tpu.memory_space<vmem>>) semaphore(%arg8 : memref<!tpu.dma_semaphore, #tpu.memory_space<semaphore_mem>>)
    %scan3A = arith.constant 0 : i32
    %scan3A_9 = arith.constant 0 : i32
    %scan3A_10 = arith.constant 100 : i32
    %scan3A_11 = arith.addi %scan3A_9, %scan3A_10 : i32
    %scan3A_12 = arith.constant 1 : i32
    scf.for %scan3A_14 = %scan3A_9 to %scan3A_11 step %scan3A_12  : i32 {
      %mul3A_15 = arith.constant 2 : i32
      %mul3A_16 = arith.muli %mul3A_15, %scan3A_14 : i32
      %add3A_17 = arith.constant 1 : i32
      %add3A_18 = arith.addi %mul3A_16, %add3A_17 : i32
      %dma_start3A_19 = arith.constant 0 : i32
      %dma_start3A_20 = tpu.memref_slice %arg5[%add3A_18, %dma_start3A_19] : memref<200x128xi32, #tpu.memory_space<vmem>> -> memref<1x128xi32, #tpu.memory_space<vmem>>
      %dma_start3A_21 = tpu.memref_squeeze %dma_start3A_20 : memref<1x128xi32, #tpu.memory_space<vmem>> -> memref<128xi32, #tpu.memory_space<vmem>>
      %dma_start3A_22 = arith.constant 0 : i32
      %dma_start3A_23 = arith.constant 0 : i32
      %dma_start3A_24 = tpu.memref_slice %arg3[%dma_start3A_22, %dma_start3A_23] : memref<1000000x64xf32, #tpu.memory_space<hbm>> -> memref<1000000x64xf32, #tpu.memory_space<hbm>>
      tpu.enqueue_indirect_dma source(%dma_start3A_24 : memref<1000000x64xf32, #tpu.memory_space<hbm>>) target(%arg7 : memref<128x64xf32, #tpu.memory_space<vmem>>) offsets(%dma_start3A_21 : memref<128xi32, #tpu.memory_space<vmem>>) semaphore(%arg9 : memref<!tpu.dma_semaphore, #tpu.memory_space<semaphore_mem>>)
      %dma_wait3A = arith.constant 0 : i32
      %dma_wait3A_25 = tpu.memref_slice %arg5[%mul3A_16, %dma_wait3A] : memref<200x128xi32, #tpu.memory_space<vmem>> -> memref<1x128xi32, #tpu.memory_space<vmem>>
      %dma_wait3A_26 = tpu.memref_squeeze %dma_wait3A_25 : memref<1x128xi32, #tpu.memory_space<vmem>> -> memref<128xi32, #tpu.memory_space<vmem>>
      %dma_wait3A_27 = arith.constant 0 : i32
      %dma_wait3A_28 = arith.constant 0 : i32
      %dma_wait3A_29 = tpu.memref_slice %arg3[%dma_wait3A_27, %dma_wait3A_28] : memref<1000000x64xf32, #tpu.memory_space<hbm>> -> memref<1000000x64xf32, #tpu.memory_space<hbm>>
      tpu.wait_indirect_dma semaphore(%arg8 : memref<!tpu.dma_semaphore, #tpu.memory_space<semaphore_mem>>) src(%dma_wait3A_29 : memref<1000000x64xf32, #tpu.memory_space<hbm>>) dst(%arg6 : memref<128x64xf32, #tpu.memory_space<vmem>>)
      %mul3A_30 = arith.constant 128 : i32
      %mul3A_31 = arith.muli %mul3A_16, %mul3A_30 : i32
      %add3A_32 = arith.addi %mul3A_2, %mul3A_31 : i32
      "tpu.region"() ({
        %run_scoped3A = tpu.sem_alloc : memref<!tpu.dma_semaphore, #tpu.memory_space<semaphore_mem>>
        %dma_start3A_48 = arith.constant 0 : i32
        %dma_start3A_49 = tpu.memref_slice %arg4[%add3A_32, %dma_start3A_48] : memref<819200x64xf32, #tpu.memory_space<hbm>> -> memref<128x64xf32, #tpu.memory_space<hbm>>
        %dma_start3A_50 = arith.constant 0 : i32
        %dma_start3A_51 = tpu.memref_slice %arg4[%add3A_32, %dma_start3A_50] : memref<819200x64xf32, #tpu.memory_space<hbm>> -> memref<128x64xf32, #tpu.memory_space<hbm>>
        tpu.enqueue_dma source(%arg6 : memref<128x64xf32, #tpu.memory_space<vmem>>) target(%dma_start3A_51 : memref<128x64xf32, #tpu.memory_space<hbm>>) target_semaphore(%run_scoped3A : memref<!tpu.dma_semaphore, #tpu.memory_space<semaphore_mem>>)
        %dma_wait3A_52 = arith.constant 0 : i32
        %dma_wait3A_53 = tpu.memref_slice %arg4[%add3A_32, %dma_wait3A_52] : memref<819200x64xf32, #tpu.memory_space<hbm>> -> memref<128x64xf32, #tpu.memory_space<hbm>>
        %dma_wait3A_54 = arith.constant 0 : i32
        %dma_wait3A_55 = tpu.memref_slice %arg4[%add3A_32, %dma_wait3A_54] : memref<819200x64xf32, #tpu.memory_space<hbm>> -> memref<128x64xf32, #tpu.memory_space<hbm>>
        tpu.wait_dma2 semaphore(%run_scoped3A : memref<!tpu.dma_semaphore, #tpu.memory_space<semaphore_mem>>) src(%arg6 : memref<128x64xf32, #tpu.memory_space<vmem>>) dst(%dma_wait3A_55 : memref<128x64xf32, #tpu.memory_space<hbm>>)
        tpu.yield
      }) : () -> ()
      %lt3A = arith.constant 99 : i32
      %lt3A_33 = arith.cmpi slt, %scan3A_14, %lt3A : i32
      %convert_element_type3A = arith.extui %lt3A_33 : i1 to i32
      %cond3A = arith.constant 0 : i32
      %cond3A_34 = arith.cmpi ne, %convert_element_type3A, %cond3A : i32
      scf.if %cond3A_34 {
        %add3A_48 = arith.constant 2 : i32
        %add3A_49 = arith.addi %mul3A_16, %add3A_48 : i32
        %dma_start3A_50 = arith.constant 0 : i32
        %dma_start3A_51 = tpu.memref_slice %arg5[%add3A_49, %dma_start3A_50] : memref<200x128xi32, #tpu.memory_space<vmem>> -> memref<1x128xi32, #tpu.memory_space<vmem>>
        %dma_start3A_52 = tpu.memref_squeeze %dma_start3A_51 : memref<1x128xi32, #tpu.memory_space<vmem>> -> memref<128xi32, #tpu.memory_space<vmem>>
        %dma_start3A_53 = arith.constant 0 : i32
        %dma_start3A_54 = arith.constant 0 : i32
        %dma_start3A_55 = tpu.memref_slice %arg3[%dma_start3A_53, %dma_start3A_54] : memref<1000000x64xf32, #tpu.memory_space<hbm>> -> memref<1000000x64xf32, #tpu.memory_space<hbm>>
        tpu.enqueue_indirect_dma source(%dma_start3A_55 : memref<1000000x64xf32, #tpu.memory_space<hbm>>) target(%arg6 : memref<128x64xf32, #tpu.memory_space<vmem>>) offsets(%dma_start3A_52 : memref<128xi32, #tpu.memory_space<vmem>>) semaphore(%arg8 : memref<!tpu.dma_semaphore, #tpu.memory_space<semaphore_mem>>)
      } else {
      }
      %add3A_35 = arith.constant 1 : i32
      %add3A_36 = arith.addi %mul3A_16, %add3A_35 : i32
      %dma_wait3A_37 = arith.constant 0 : i32
      %dma_wait3A_38 = tpu.memref_slice %arg5[%add3A_36, %dma_wait3A_37] : memref<200x128xi32, #tpu.memory_space<vmem>> -> memref<1x128xi32, #tpu.memory_space<vmem>>
      %dma_wait3A_39 = tpu.memref_squeeze %dma_wait3A_38 : memref<1x128xi32, #tpu.memory_space<vmem>> -> memref<128xi32, #tpu.memory_space<vmem>>
      %dma_wait3A_40 = arith.constant 0 : i32
      %dma_wait3A_41 = arith.constant 0 : i32
      %dma_wait3A_42 = tpu.memref_slice %arg3[%dma_wait3A_40, %dma_wait3A_41] : memref<1000000x64xf32, #tpu.memory_space<hbm>> -> memref<1000000x64xf32, #tpu.memory_space<hbm>>
      tpu.wait_indirect_dma semaphore(%arg9 : memref<!tpu.dma_semaphore, #tpu.memory_space<semaphore_mem>>) src(%dma_wait3A_42 : memref<1000000x64xf32, #tpu.memory_space<hbm>>) dst(%arg7 : memref<128x64xf32, #tpu.memory_space<vmem>>)
      %add3A_43 = arith.constant 1 : i32
      %add3A_44 = arith.addi %mul3A_16, %add3A_43 : i32
      %mul3A_45 = arith.constant 128 : i32
      %mul3A_46 = arith.muli %add3A_44, %mul3A_45 : i32
      %add3A_47 = arith.addi %mul3A_2, %mul3A_46 : i32
      "tpu.region"() ({
        %run_scoped3A = tpu.sem_alloc : memref<!tpu.dma_semaphore, #tpu.memory_space<semaphore_mem>>
        %dma_start3A_48 = arith.constant 0 : i32
        %dma_start3A_49 = tpu.memref_slice %arg4[%add3A_47, %dma_start3A_48] : memref<819200x64xf32, #tpu.memory_space<hbm>> -> memref<128x64xf32, #tpu.memory_space<hbm>>
        %dma_start3A_50 = arith.constant 0 : i32
        %dma_start3A_51 = tpu.memref_slice %arg4[%add3A_47, %dma_start3A_50] : memref<819200x64xf32, #tpu.memory_space<hbm>> -> memref<128x64xf32, #tpu.memory_space<hbm>>
        tpu.enqueue_dma source(%arg7 : memref<128x64xf32, #tpu.memory_space<vmem>>) target(%dma_start3A_51 : memref<128x64xf32, #tpu.memory_space<hbm>>) target_semaphore(%run_scoped3A : memref<!tpu.dma_semaphore, #tpu.memory_space<semaphore_mem>>)
        %dma_wait3A_52 = arith.constant 0 : i32
        %dma_wait3A_53 = tpu.memref_slice %arg4[%add3A_47, %dma_wait3A_52] : memref<819200x64xf32, #tpu.memory_space<hbm>> -> memref<128x64xf32, #tpu.memory_space<hbm>>
        %dma_wait3A_54 = arith.constant 0 : i32
        %dma_wait3A_55 = tpu.memref_slice %arg4[%add3A_47, %dma_wait3A_54] : memref<819200x64xf32, #tpu.memory_space<hbm>> -> memref<128x64xf32, #tpu.memory_space<hbm>>
        tpu.wait_dma2 semaphore(%run_scoped3A : memref<!tpu.dma_semaphore, #tpu.memory_space<semaphore_mem>>) src(%arg7 : memref<128x64xf32, #tpu.memory_space<vmem>>) dst(%dma_wait3A_55 : memref<128x64xf32, #tpu.memory_space<hbm>>)
        tpu.yield
      }) : () -> ()
    }
    %scan3A_13 = arith.constant 100 : i32
    return
  }
}

module attributes {stable_mosaic.version = 14 : i64} {
  func.func @body(%arg0: i32, %arg1: i32, %arg2: memref<1x128x128xf32, #tpu.memory_space<vmem>>, %arg3: memref<2x64x128xf32, #tpu.memory_space<vmem>>) attributes {dimension_semantics = [#tpu.dimension_semantics<arbitrary>, #tpu.dimension_semantics<arbitrary>], iteration_bounds = array<i64: 25, 128>, scalar_prefetch = 0 : i64, scratch_operands = 0 : i64, tpu.core_type = #tpu.core_type<tc>, window_params = [{transform_indices = @transform_0, window_bounds = array<i64: 1, 128, 128>}, {transform_indices = @transform_1, window_bounds = array<i64: 2, 64, 128>}]} {
    %get3A = arith.constant 0 : index
    %get3A_0 = arith.constant 0 : index
    %get3A_1 = arith.constant 0 : index
    %get3A_2 = vector.load %arg2[%get3A, %get3A_0, %get3A_1] : memref<1x128x128xf32, #tpu.memory_space<vmem>>, vector<1x128x128xf32>
    %get3A_3 = vector.shape_cast %get3A_2 : vector<1x128x128xf32> to vector<128x128xf32>
    %slice3A = vector.extract_strided_slice %get3A_3 {offsets = [0, 0], sizes = [128, 64], strides = [1, 1]} : vector<128x128xf32> to vector<128x64xf32>
    %transpose3A = tpu.transpose %slice3A, [1, 0] : vector<128x64xf32> -> vector<64x128xf32>
    %swap3A = arith.constant 0 : index
    %swap3A_4 = arith.constant 0 : index
    %swap3A_5 = arith.constant 0 : index
    %swap3A_6 = vector.load %arg3[%swap3A, %swap3A_4, %swap3A_5] : memref<2x64x128xf32, #tpu.memory_space<vmem>>, vector<1x64x128xf32>
    %swap3A_7 = vector.shape_cast %swap3A_6 : vector<1x64x128xf32> to vector<64x128xf32>
    %swap3A_8 = vector.shape_cast %transpose3A : vector<64x128xf32> to vector<1x64x128xf32>
    tpu.vector_store %arg3[%swap3A, %swap3A_4, %swap3A_5], %swap3A_8 {strides = array<i32>} : memref<2x64x128xf32, #tpu.memory_space<vmem>>, vector<1x64x128xf32>,
    %slice3A_9 = vector.extract_strided_slice %get3A_3 {offsets = [0, 64], sizes = [128, 64], strides = [1, 1]} : vector<128x128xf32> to vector<128x64xf32>
    %transpose3A_10 = tpu.transpose %slice3A_9, [1, 0] : vector<128x64xf32> -> vector<64x128xf32>
    %swap3A_11 = arith.constant 1 : index
    %swap3A_12 = arith.constant 0 : index
    %swap3A_13 = arith.constant 0 : index
    %swap3A_14 = vector.load %arg3[%swap3A_11, %swap3A_12, %swap3A_13] : memref<2x64x128xf32, #tpu.memory_space<vmem>>, vector<1x64x128xf32>
    %swap3A_15 = vector.shape_cast %swap3A_14 : vector<1x64x128xf32> to vector<64x128xf32>
    %swap3A_16 = vector.shape_cast %transpose3A_10 : vector<64x128xf32> to vector<1x64x128xf32>
    tpu.vector_store %arg3[%swap3A_11, %swap3A_12, %swap3A_13], %swap3A_16 {strides = array<i32>} : memref<2x64x128xf32, #tpu.memory_space<vmem>>, vector<1x64x128xf32>,
    return
  }
  func.func @transform_0(%arg0: i32, %arg1: i32) -> (i32, i32, i32) {
    %c0_i32 = arith.constant 0 : i32
    %c0_i32_0 = arith.constant 0 : i32
    return %arg0, %arg1, %c0_i32 : i32, i32, i32
  }
  func.func @transform_1(%arg0: i32, %arg1: i32) -> (i32, i32, i32) {
    %c0_i32 = arith.constant 0 : i32
    %c0_i32_0 = arith.constant 0 : i32
    return %arg0, %c0_i32, %arg1 : i32, i32, i32
  }
}

</mosaic_0001>

<sc_bundles>
// kernel: kernel.4.cloned.1.call-start
scs
__scs_entry_jumppad:
0x0: {  	(pc) =	sbr.rel $0x88, $3  }
0x1: {  	(tag) =	ssettag $0x0;
	lr =	simm.s32 $0x1  }
0x2: {  	[smem:$0x3F9F] =	sst lr;
	_ =	strace $0xD0000000  }
0x3: {  	_ = 	snop  }
0x4: {  	_ = 	snop  }
0x5: {  	_ = 	snop  }
0x6: {  	_ = 	snop  }
0x7: {  	_ = 	snop  }
__scs_overlays_trampoline_lowered:
0x8: {  	[smem:$0x3FAE] =	sst s0  }
0x9: {  	[smem:$0x3FAF] =	sst s1  }
0xa: {  	[smem:$0x3FB0] =	sst s2  }
0xb: {  	[smem:$0x3FB1] =	sst s3  }
0xc: {  	[smem:$0x3FB2] =	sst s4  }
0xd: {  	[smem:$0x3FB3] =	sst s5  }
0xe: {  	[smem:$0x3FB4] =	sst s6  }
0xf: {  	[smem:$0x3FB5] =	sst s7  }
0x10: {  	[smem:$0x3FB6] =	sst s8  }
0x11: {  	[smem:$0x3FB7] =	sst s9;
	s0 =	simm.s32 @!p0 $0x0  }
0x12: {  	s1 =	sld [smem:$0x3F9D];
	s0 =	simm.s32 @p0 $0x1  }
0x13: {  	[smem:$0x3FB8] =	sst s0;
	s0 =	simm.s32 @!p1 $0x0  }
0x14: {  	s2 =	sld [smem:$0x3F9C];
	s0 =	simm.s32 @p1 $0x1  }
0x15: {  	[smem:$0x3FB9] =	sst s0;
	s0 =	simm.s32 @!p2 $0x0  }
0x16: {  	s3 =	sld [smem:$0x3FDB];
	s0 =	simm.s32 @p2 $0x1  }
0x17: {  	s4 =	simm.s32 $0x1BF5;
	[smem:$0x3FBB] =	sst s0  }
0x18: {  	s0 =	sld [smem:$0x3F9E];
	_ =	swait.ge [sflag:s4], $0x0  }
0x19: {  	s7 =	sld [smem:$0x3F9F]  }
0x1a: {  	s8 =	sadd.s32 $0xFFFFE003, lr  }
0x1b: {  	s9 =	sadd.s32 $0xFFFFFEF7, lr;
	s5 =	simm.s32 $0xFFFFFFFF;
	p2 =	slt.u32 s8, $0xFFFFF086  }
0x1c: {  	p1 =	slt.u32 s9, $0xF7A;
	s5 =	simm.s32 @!p2 $0x0  }
0x1d: {  	s5 =	simm.s32 @p1 $0x1;
	p0 =	seq.s32 s7, s2  }
0x1e: {  	s7 =	smul.u32 @!p0 $0xF7A, s2;
	p2 =	seq.s32 @!p0 s5, $0x0  }
0x1f: {  	s9 =	smul.u32 $0xF7A, s1;
	s8 =	simm.s32 @!p0 $0x1BF5;
	p2 =	por !p2, p0  }
0x20: {  	[sflag:s8] =	ssyncset.s32 @!p0 $0xFFFFF086;
	s6 =	sadd.s32 @!p0 s3, s7;
	s7 =	simm.s32 @!p0 $0x108  }
0x21: {  	s3 =	sadd.s32 s3, s9;
	s6 =	sadd.s32 @!p0 $0x88, s6;
	s7 =	simm.s32 @p2 $0x1082  }
0x22: {  	[simem:s7], [sflag:s8] =	dma.local @!p0 [hbm:s6], $0xF7A  }
0x23: {  	s9 =	sor.u32 $0xD0000000, s2;
	s6 =	simm.s32 $0x108;
	_ =	swait.ge @!p0 [sflag:s8], $0x0  }
0x24: {  	s3 =	sadd.s32 $0x88, s3;
	s6 =	simm.s32 @!p1 $0x1082;
	[sflag:s4] =	ssyncset.s32 $0xFFFFF086  }
0x25: {  	[simem:s6], [sflag:s4] =	dma.local [hbm:s3], $0xF7A  }
0x26: {  	[smem:$0x3F9F] =	sst s1;
	(tag) =	ssettag s2;
	_ =	strace s9  }
0x27: {  	s1 =	sld [smem:$0x3FAF]  }
0x28: {  	s2 =	sld [smem:$0x3FB0]  }
0x29: {  	s4 =	sld [smem:$0x3FB2]  }
0x2a: {  	p0 =	seq.s32 s5, $0x0;
	s5 =	sld [smem:$0x3FB3]  }
0x2b: {  	s6 =	sld [smem:$0x3FB4]  }
0x2c: {  	s7 =	sld [smem:$0x3FB5]  }
0x2d: {  	s3 =	simm.s32 $0x108;
	s8 =	sld [smem:$0x3FB6]  }
0x2e: {  	s3 =	simm.s32 @!p0 $0x1082;
	s9 =	sld [smem:$0x3FB7]  }
0x2f: {  	lr =	sadd.s32 s0, s3;
	s0 =	sld [smem:$0x3FAE]  }
0x30: {  	s3 =	sld [smem:$0x3FB1]  }
0x31: {  	[smem:$0x3FBA] =	sst s10  }
0x32: {  	s10 =	sld [smem:$0x3FB8];
	_ =	sdelay $0x3  }
0x33: {  	p0 =	seq.s32 s10, $0x1;
	s10 =	sld [smem:$0x3FBA];
	_ =	sdelay $0x3  }
0x34: {  	[smem:$0x3FBA] =	sst s10  }
0x35: {  	s10 =	sld [smem:$0x3FB9];
	_ =	sdelay $0x3  }
0x36: {  	p1 =	seq.s32 s10, $0x1;
	s10 =	sld [smem:$0x3FBA];
	_ =	sdelay $0x3  }
0x37: {  	[smem:$0x3FBA] =	sst s10  }
0x38: {  	s10 =	sld [smem:$0x3FBB]  }
0x39: {  	_ = 	snop;
	(pc) =	sbr.ind lr, $3  }
0x3a: {  	_ = 	snop  }
0x3b: {  	_ = 	snop  }
0x3c: {  	p2 =	seq.s32 s10, $0x1;
	s10 =	sld [smem:$0x3FBA]  }
0x3d: {  	_ =	shalt  }
0x3e: {  	_ =	shalt  }
0x3f: {  	_ =	shalt  }
0x40: {  	_ =	shalt  }
0x41: {  	_ =	shalt  }
0x42: {  	_ =	shalt  }
0x43: {  	_ =	shalt  }
0x44: {  	_ =	shalt  }
0x45: {  	_ =	shalt  }
0x46: {  	_ =	shalt  }
0x47: {  	_ =	shalt  }
0x48: {  	_ =	shalt  }
0x49: {  	_ =	shalt  }
0x4a: {  	_ =	shalt  }
0x4b: {  	_ =	shalt  }
0x4c: {  	_ =	shalt  }
0x4d: {  	_ =	shalt  }
0x4e: {  	_ =	shalt  }
0x4f: {  	_ =	shalt  }
0x50: {  	_ =	shalt  }
0x51: {  	_ =	shalt  }
0x52: {  	_ =	shalt  }
0x53: {  	_ =	shalt  }
0x54: {  	_ =	shalt  }
0x55: {  	_ =	shalt  }
0x56: {  	_ =	shalt  }
0x57: {  	_ =	shalt  }
0x58: {  	_ =	shalt  }
0x59: {  	_ =	shalt  }
0x5a: {  	_ =	shalt  }
0x5b: {  	_ =	shalt  }
0x5c: {  	_ =	shalt  }
0x5d: {  	_ =	shalt  }
0x5e: {  	_ =	shalt  }
0x5f: {  	_ =	shalt  }
0x60: {  	_ =	shalt  }
0x61: {  	_ =	shalt  }
0x62: {  	_ =	shalt  }
0x63: {  	_ =	shalt  }
0x64: {  	_ =	shalt  }
0x65: {  	_ =	shalt  }
0x66: {  	_ =	shalt  }
0x67: {  	_ =	shalt  }
0x68: {  	_ =	shalt  }
0x69: {  	_ =	shalt  }
0x6a: {  	_ =	shalt  }
0x6b: {  	_ =	shalt  }
0x6c: {  	_ =	shalt  }
0x6d: {  	_ =	shalt  }
0x6e: {  	_ =	shalt  }
0x6f: {  	_ =	shalt  }
0x70: {  	_ =	shalt  }
0x71: {  	_ =	shalt  }
0x72: {  	_ =	shalt  }
0x73: {  	_ =	shalt  }
0x74: {  	_ =	shalt  }
0x75: {  	_ =	shalt  }
0x76: {  	_ =	shalt  }
0x77: {  	_ =	shalt  }
0x78: {  	_ =	shalt  }
0x79: {  	_ =	shalt  }
0x7a: {  	_ =	shalt  }
0x7b: {  	_ =	shalt  }
0x7c: {  	_ =	shalt  }
0x7d: {  	_ =	shalt  }
0x7e: {  	_ =	shalt  }
0x7f: {  	_ =	shalt  }
0x80: {  	_ =	shalt  }
0x81: {  	_ =	shalt  }
0x82: {  	_ =	shalt  }
0x83: {  	_ =	shalt  }
0x84: {  	_ =	shalt  }
0x85: {  	_ =	shalt  }
0x86: {  	_ =	shalt  }
0x87: {  	_ =	shalt  }
.Lfunc_end0:
.L_simem_size_0:
called_computation_lowered:
.L_overlay_start_0:
0x88: {  	s2 =	sld [smem:$0x3FD9]  }
0x89: {  	s3 =	sld [smem:$0x3FFE];
	_ =	sdelay $0x1  }
0x8a: {  	s1 =	srdreg.scid  }
0x8b: {  	s0 =	sand.u32 $0x1, s1  }
0x8c: {  	s16 =	sshll.u32 s0, $0xA;
	s2 =	sadd.s32 s3, s2  }
0x8d: {  	s2 =	sadd.s32 s2, s16  }
0x8e: {  	[smem:$0x3FC6] =	sst s2  }
0x8f: {  	_ = 	snop  }
0x90: {  	(tm) =	ssettm $0x1  }
0x91: {  	s17 =	sld [smem:$0x3FFB];
	_ =	sdelay $0x3  }
0x92: {  	_ =	strace s17  }
0x93: {  	s2 =	sld [smem:$0x3FFC];
	_ =	sdelay $0x3  }
0x94: {  	_ =	strace s2  }
0x95: {  	s2 =	sld [smem:$0x3FFD];
	_ =	sdelay $0x3  }
0x96: {  	_ =	strace s2  }
0x97: {  	_ =	strace $0x8FFFFFFF  }
0x98: {  	s18 =	sld [smem:$0x3FDB];
	_ =	sdelay $0x1  }
0x99: {  	s19 =	simm.s32 $_scs_section_size  }
0x9a: {  	s4 =	simm.s32 $_size__tile_overlayer_lowered;
	s5 =	simm.s32 $_tile_overlayer_lowered  }
0x9b: {  	s22 =	simm.s32 $0x1BFF;
	s21 =	sshll.u32 s5, $0x1;
	s2 =	sadd.s32 s19, s18  }
0x9c: {  	s6 =	simm.s32 $0x0;
	s20 =	sshll.u32 s4, $0x1;
	s4 =	sadd.s32 s21, s2  }
0x9d: {  	[timem:s6], [sflag:s22] =	dma.local [hbm:s4], s20  }
0x9e: {  	_ =	swait.ge [sflag:s22], s20  }
0x9f: {  	s3 =	ssub.s32 $0x0, s20;
	[sflag:s22] =	ssyncset.done $0x0  }
0xa0: {  	[sflag:s22] =	ssyncadd.s32 s3;
	_ =	sdelay $0x1  }
0xa1: {  	s23 =	simm.s32 $0x1B8B  }
0xa2: {  	_ =	swait.ge [sflag:s23], $0x1  }
0xa3: {  	[sflag:s23] =	ssyncset.done $0x0  }
0xa4: {  	s25 =	simm.s32 $0x1B8E;
	s24 =	sld [smem:$0x3FFE];
	[sflag:s23] =	ssyncadd.s32 $0xFFFFFFFF  }
0xa5: {  	s26 =	simm.s32 $execute0_lowered;
	[smem:$0x3FD2] =	sst s25  }
0xa6: {  	s4 =	sshll.u32 s26, $0x1;
	_ =	strace $0x80000046;
	[dreg:$0x1] =	wrdreg $0xFFFFFFFF  }
0xa7: {  	s28 =	simm.s32 $_size_execute0_lowered;
	s2 =	sadd.s32 s2, s4;
	[dreg:$0x0] =	wrdreg $0x0  }
0xa8: {  	s4 =	sshll.u32 s28, $0x1;
	[dreg:$0x2] =	wrdreg s2  }
0xa9: {  	[dreg:$0x3] =	wrdreg s4  }
0xaa: {  	[dreg:$0x4] =	wrdreg $0xC0  }
0xab: {  	_ =	task [dreg:s6], $0x5FFFF  }
0xac: {  	[dreg:$0x1] =	wrdreg $0xFFFFFFFF  }
0xad: {  	[dreg:$0x0] =	wrdreg $0x60  }
0xae: {  	[dreg:$0x2] =	wrdreg s24  }
0xaf: {  	[dreg:$0x3] =	wrdreg $0x9  }
0xb0: {  	_ =	task.clear_ibuf [dreg:s6], $0x4FFFF;
	_ =	strace $0x90000046  }
0xb1: {  	s29 =	simm.s32 $0x9;
	_ =	strace $0x80000048  }
0xb2: {  	_ =	swait.ge [sflag:s29], $0x1  }
0xb3: {  	[sflag:s29] =	ssyncadd.s32 $0xFFFFFFFF  }
0xb4: {  	_ =	strace $0x90000048  }
0xb5: {  	_ =	sfence  }
0xb6: {  	s30 =	sld [smem:$0x0];
	_ =	sdelay $0x2  }
0xb7: {  	s31 =	sshll.u32 s1, $0xD;
	s1 =	sshrl.u32 s1, $0x2  }
0xb8: {  	s3 =	sand.u32 $0x4000, s31;
	s1 =	sadd.s32 s1, s30  }
0xb9: {  	s0 =	sor.u32 s3, s0;
	s1 =	sshll.u32 s1, $0x11  }
0xba: {  	s0 =	sor.u32 s1, s0  }
0xbb: {  	s0 =	sadd.s32 $0x8F2B, s0  }
0xbc: {  	[sflag:s0] =	ssyncadd.remote.s32 $0x1  }
0xbd: {  	_ =	sfence.sel $0xFFFF  }
0xbe: {  	[dreg:$0x0] =	wrdreg $0xFFFFFFFF;
	(pc) =	sbr.abs _section_cstart, $3  }
0xbf: {  	[dreg:$0x1] =	wrdreg $0xFFFFFFFF  }
0xc0: {  	_ =	task.clear_ibuf [dreg:s6], $0x2FFFF;
	_ =	strace $0x9FFFFFFF  }
0xc1: {  	(tm) =	ssettm $0x7FFFFFFF  }
tec
execute0_lowered:
.L_overlay_start_1:
0x0: {  	(tag) =	ssettag $0x1  }
0x1: {  	s1 =	srdreg.scid  }
0x2: {  	s0 =	stileid.u32;
	s4 =	rddreg [dreg:$0x0];
	s2 =	simm.s32 $0x0  }
0x3: {  	s14 =	simm.s32 $0x1;
	s15 =	simm.s32 $0x2;
	s10 =	smul.u32 $0x320000, s0  }
0x4: {  	s16 =	simm.s32 $0x6380;
	s5 =	sand.u32 $0x1, s1;
	s26 =	smul.u32 $0xC800, s0  }
0x5: {  	s17 =	simm.s32 $0x0;
	s25 =	sshll.u32 s0, $0x1;
	s12 =	smul.u32 $0x190000, s5  }
0x6: {  	s1 =	rddreg [dreg:$0x1];
	s6 =	sor.u32 s5, s25;
	s28 =	smul.u32 $0x6400, s5  }
0x7: {  	[smem:$0x7FF] =	sst s2;
	s9 =	ssub.s32 $0x2, s5;
	s3 =	smul.u32 $0x6400, s6  }
0x8: {  	s13 =	sadd.s32 $0x19600, s4;
	s7 =	smul.u32 $0x190000, s6;
	s11 =	sshrl.u32 s9, $0x1  }
0x9: {  	_ =	strace $0x80000047;
	s29 =	smul.u32 $0x32000, s6;
	s9 =	ssub.s32 s9, s11  }
0xa: {  	s30 =	sadd.s32 s12, s10;
	s12 =	simm.s32 $0x80;
	s3 =	sshrl.u32 s3, $0x3  }
0xb: {  	s7 =	sshrl.u32 s7, $0x3;
	s5 =	smax.u32 s9, $0x1;
	s9 =	sadd.s32 s13, s29  }
0xc: {  	s10 =	sshrl.u32 s30, $0x3;
	s8 =	sadd.s32 s3, s4;
	s3 =	sadd.s32 $0xF42A00, s4  }
0xd: {  	s7 =	sadd.s32 s13, s7;
	s4 =	sadd.s32 $0x600, s8;
	s8 =	sadd.s32 s28, s26  }
0xe: {  	s6 =	sadd.s32 $0x31800, s7;
	s7 =	sadd.s32 $0x31C00, s9;
	s11 =	sshll.u32 s8, $0x3  }
0xf: {  	s8 =	sadd.s32 s10, s13;
	s10 =	simm.s32 $0x3;
	s31 =	sadd.s32 s11, s13  }
0x10: {  	s11 =	simm.s32 $0x6400;
	s13 =	simm.s32 $0x8400;
	s9 =	sadd.s32 $0x400, s31  }
.LBB2_1:
0x11: {  	[tilespmem:s2], [sflag:$0x3] =	stream.linear.gather [hbm4b:s4+s2], $0x6400, $0x38;
	[tilespmem:$0xA400] =	vst v63  }
0x12: {  	_ =	swait.ge [sflag:s10], $0x6400  }
0x13: {  	[sflag:s10] =	ssyncset.done $0x0  }
0x14: {  	[sflag:s10] =	ssyncadd.s32 $0xFFFF9C00  }
0x15: {  	[tilespmem:s11], [sflag:$0x1] =	stream.indirect.gather [hbm4b:s3+s12], $0x40, s2, s12, $0xb8;
	[tilespmem:$0xA400] =	vst v63  }
0x16: {  	_ = 	snop  }
0x17: {  	[tilespmem:s13], [sflag:$0x2] =	stream.indirect.gather [hbm4b:s3+s12], $0x40, s12, s12, $0xb8;
	[tilespmem:$0xA400] =	vst v63  }
0x18: {  	_ =	swait.ge [sflag:s14], $0x2000  }
0x19: {  	[sflag:s14] =	ssyncset.done $0x0  }
0x1a: {  	s18 =	sadd.s32 $0x0, s8;
	[sflag:s14] =	ssyncadd.s32 $0xFFFFE000  }
0x1b: {  	[hbm4b:s18+s2] =	stream.linear.scatter [tilespmem:s11], [sflag:$0x3], $0x2000, $0x38;
	[tilespmem:$0xA400] =	vst v63  }
0x1c: {  	_ =	swait.ge [sflag:s10], $0x2000  }
0x1d: {  	[sflag:s10] =	ssyncset.done $0x0  }
0x1e: {  	s30 =	simm.s32 $0x100;
	[sflag:s10] =	ssyncadd.s32 $0xFFFFE000  }
0x1f: {  	[tilespmem:s11], [sflag:$0x1] =	stream.indirect.gather [hbm4b:s3+s12], $0x40, s30, s12, $0xb8;
	[tilespmem:$0xA400] =	vst v63  }
0x20: {  	_ =	swait.ge [sflag:s15], $0x2000  }
0x21: {  	[sflag:s15] =	ssyncset.done $0x0  }
0x22: {  	s31 =	sadd.s32 $0x0, s9;
	[sflag:s15] =	ssyncadd.s32 $0xFFFFE000  }
0x23: {  	[hbm4b:s31+s2] =	stream.linear.scatter [tilespmem:s13], [sflag:$0x3], $0x2000, $0x38;
	[tilespmem:$0xA400] =	vst v63  }
0x24: {  	_ =	swait.ge [sflag:s10], $0x2000  }
0x25: {  	s19 =	simm.s32 $0x80;
	s18 =	simm.s32 $0x800;
	[sflag:s10] =	ssyncset.done $0x0  }
.LBB2_2:
0x26: {  	p0 =	sne.s32 s18, $0x31000;
	[sflag:s10] =	ssyncadd.s32 $0xFFFFE000;
	s19 =	sadd.s32 $0x100, s19  }
0x27: {  	[tilespmem:s13], [sflag:$0x2] =	stream.indirect.gather [hbm4b:s3+s12], $0x40, s19, s12, $0xb8;
	[tilespmem:$0xA400] =	vst v63  }
0x28: {  	s20 =	smov.u32 s18;
	s18 =	sadd.s32 $0x800, s18;
	_ =	swait.ge [sflag:s14], $0x2000  }
0x29: {  	[sflag:s14] =	ssyncset.done $0x0  }
0x2a: {  	s21 =	sadd.s32 s20, s8;
	[sflag:s14] =	ssyncadd.s32 $0xFFFFE000  }
0x2b: {  	[hbm4b:s21+s2] =	stream.linear.scatter [tilespmem:s11], [sflag:$0x3], $0x2000, $0x38;
	[tilespmem:$0xA400] =	vst v63  }
0x2c: {  	_ =	swait.ge [sflag:s10], $0x2000  }
0x2d: {  	[sflag:s10] =	ssyncset.done $0x0  }
0x2e: {  	s21 =	sadd.s32 $0x80, s19;
	[sflag:s10] =	ssyncadd.s32 $0xFFFFE000  }
0x2f: {  	[tilespmem:s11], [sflag:$0x1] =	stream.indirect.gather [hbm4b:s3+s12], $0x40, s21, s12, $0xb8;
	[tilespmem:$0xA400] =	vst v63  }
0x30: {  	_ =	swait.ge [sflag:s15], $0x2000  }
.Ltmp0:
0x31: {  	[sflag:s15] =	ssyncset.done $0x0;
	(pc) =	sbr.rel @p0 .LBB2_2-.Ltmp0, $4  }
0x32: {  	s20 =	sadd.s32 s20, s9;
	[sflag:s15] =	ssyncadd.s32 $0xFFFFE000  }
0x33: {  	[hbm4b:s20+s2] =	stream.linear.scatter [tilespmem:s13], [sflag:$0x3], $0x2000, $0x38;
	[tilespmem:$0xA400] =	vst v63  }
0x34: {  	_ =	swait.ge [sflag:s10], $0x2000  }
0x35: {  	[sflag:s10] =	ssyncset.done $0x0  }
0x36: {  	[sflag:s10] =	ssyncadd.s32 $0xFFFFE000  }
0x37: {  	[tilespmem:s13], [sflag:$0x2] =	stream.indirect.gather [hbm4b:s3+s12], $0x40, s16, s12, $0xb8;
	[tilespmem:$0xA400] =	vst v63  }
0x38: {  	_ =	swait.ge [sflag:s14], $0x2000  }
0x39: {  	[sflag:s14] =	ssyncset.done $0x0  }
0x3a: {  	[sflag:s14] =	ssyncadd.s32 $0xFFFFE000  }
0x3b: {  	[hbm4b:s6+s2] =	stream.linear.scatter [tilespmem:s11], [sflag:$0x3], $0x2000, $0x38;
	[tilespmem:$0xA400] =	vst v63  }
0x3c: {  	_ =	swait.ge [sflag:s10], $0x2000  }
0x3d: {  	[sflag:s10] =	ssyncset.done $0x0  }
0x3e: {  	[sflag:s10] =	ssyncadd.s32 $0xFFFFE000  }
0x3f: {  	s17 =	sadd.s32 $0x1, s17;
	_ =	swait.ge [sflag:s15], $0x2000  }
0x40: {  	p0 =	sne.s32 s17, s5;
	[sflag:s15] =	ssyncset.done $0x0  }
.Ltmp1:
0x41: {  	[sflag:s15] =	ssyncadd.s32 $0xFFFFE000;
	(pc) =	sbr.rel @p0 .LBB2_1-.Ltmp1, $4  }
0x42: {  	[hbm4b:s7+s2] =	stream.linear.scatter [tilespmem:s13], [sflag:$0x3], $0x2000, $0x38;
	[tilespmem:$0xA400] =	vst v63  }
0x43: {  	_ =	swait.ge [sflag:s10], $0x2000  }
0x44: {  	[sflag:s10] =	ssyncset.done $0x0  }
0x45: {  	[sflag:s10] =	ssyncadd.s32 $0xFFFFE000  }
0x46: {  	_ =	sfence.sel $0x180000  }
0x47: {  	[bflag:$0x0] =	sbarrier.arrive $0xFFFF  }
0x48: {  	p0 =	sne.s32 s0, $0x0;
	_ =	strace $0x90000047  }
0x49: {  	s0 =	sadd.s32 @!p0 $0x100000, s1;
	[bflag:$0x2] =	sbarrier.arrive $0xFFFF  }
0x4a: {  	[sflag:s0] =	ssyncadd.tile.s32 @!p0 $0x1;
	_ =	shalt  }
.Lfunc_end2:
_tile_overlayer_lowered:
.L_overlay_start_2:
0x4b: {  	(tag) =	ssettag $0x2  }
0x4c: {  	s0 =	rddreg [dreg:$0x0];
	s2 =	stileid.u32  }
0x4d: {  	s1 =	rddreg [dreg:$0x1];
	p0 =	sne.s32 s2, $0x0  }
0x4e: {  	s3 =	rddreg [dreg:$0x2];
	[bflag:$0x3] =	sbarrier.arrive $0xFFFF;
	s2 =	simm.s32 @!p0 $0x1C03  }
0x4f: {  	[timem:s3], [sflag:s2] =	dma.local @!p0 [hbm:s0], s1  }
0x50: {  	s0 =	simm.s32 @!p0 $0x3  }
0x51: {  	_ =	swait.ge @!p0 [sflag:s0], s1  }
0x52: {  	s1 =	ssub.s32 @!p0 $0x0, s1;
	[sflag:s0] =	ssyncset.done @!p0 $0x0  }
0x53: {  	[sflag:s0] =	ssyncadd.s32 @!p0 s1  }
0x54: {  	[bflag:$0x3] =	sbarrier.arrive $0xFFFF  }
0x55: {  	_ =	shalt  }

</sc_bundles>
